<compile_context>
chip_gen: v7x
topology: tpu7x:2x2x1
jax: 0.10.2.dev20260603
libtpu: 0.0.44.dev20260713+nightly
codegen_flags: <defaults>
</compile_context>

<pallas_src>
import jax
import jax.numpy as jnp
from jax import lax
from jax.experimental import pallas as pl
from jax.experimental.pallas import tpu as pltpu

SEQ = 2048
BATCH = 16
D = 1024
BT = 128
NT = SEQ // BT


def _body(lens_ref, in_ref, out_ref, acc_ref):
    b = pl.program_id(0)
    t = pl.program_id(1)
    L = lens_ref[b]
    nb = (L + (BT - 1)) // BT
    rem = L - t * BT

    @pl.when(t == 0)
    def _():
        acc_ref[...] = jnp.zeros_like(acc_ref)

    @pl.when(rem >= BT)
    def _():
        x = in_ref[...].reshape(BT // 8, 8, D)
        acc_ref[...] += jnp.sum(x, axis=0)

    @pl.when((t < nb) & (rem < BT))
    def _():
        x = in_ref[...]
        row = lax.broadcasted_iota(jnp.int32, (BT, D), 0)
        masked = jnp.where(row < rem, x, 0.0).reshape(BT // 8, 8, D)
        acc_ref[...] += jnp.sum(masked, axis=0)

    @pl.when(t == nb - 1)
    def _():
        s = jnp.sum(acc_ref[...], axis=0)
        out_ref[...] = (s / L.astype(jnp.float32))[None, None, :]


def _seq_mean_tc(input2, lens):
    grid_spec = pltpu.PrefetchScalarGridSpec(
        num_scalar_prefetch=1,
        grid=(BATCH, NT),
        in_specs=[
            pl.BlockSpec(
                (BT, D),
                lambda b, t, lens: (
                    jnp.minimum(t, (lens[b] + (BT - 1)) // BT - 1), b),
            ),
        ],
        out_specs=pl.BlockSpec((1, 1, D), lambda b, t, lens: (b, 0, 0)),
        scratch_shapes=[pltpu.VMEM((8, D), jnp.float32)],
    )
    return pl.pallas_call(
        _body,
        grid_spec=grid_spec,
        out_shape=jax.ShapeDtypeStruct((BATCH, 1, D), jnp.float32),
        compiler_params=pltpu.CompilerParams(
            dimension_semantics=("arbitrary", "arbitrary"),
        ),
    )(lens, input2)


def kernel(input, sequence_lengths):
    lens = sequence_lengths.astype(jnp.int32)
    input2 = input.reshape(SEQ, BATCH * D)
    return _seq_mean_tc(input2, lens).reshape(BATCH, D)

# --- scband reference (transcript-rebuilt; emitter-appended) ---
"""Pipeline reference for scband-sequence-feature-extractor-65953517798055 (READ-ONLY COPY).

The authoritative reference and input builder live on the scoring server;
editing this copy changes nothing except your own understanding.
"""

import jax, jax.numpy as jnp
import numpy as np

SEQ_LEN = 2048
BATCH = 16
D = 1024

def setup_inputs(seed: int = 0) -> dict:
    key = jax.random.key(seed)
    k1, k2 = jax.random.split(key)
    inp = jax.random.normal(k1, (SEQ_LEN, BATCH, D), dtype=jnp.float32)
    # lengths in [1, SEQ_LEN] to avoid empty-sequence division by zero
    seq_lens = jax.random.randint(k2, (BATCH,), 1, SEQ_LEN + 1, dtype=jnp.int64)
    return {"input": inp, "sequence_lengths": seq_lens}

def reference(input, sequence_lengths):
    # Faithful vectorized translation of:
    #   features = [pool(input[:L_i, i:i+1, :]) for i in range(B)]; cat(features, dim=0)
    # with pool = mean over the time (seq) dimension.
    # mask[t, b] = t < L_b
    L = input.shape[0]
    mask = (jnp.arange(L)[:, None] < sequence_lengths[None, :]).astype(input.dtype)  # (L, B)
    summed = jnp.sum(input * mask[:, :, None], axis=0)  # (B, D)
    counts = sequence_lengths.astype(input.dtype)[:, None]  # (B, 1)
    return summed / counts

if __name__ == "__main__":
    import jax
    _d = setup_inputs()
    print(jax.jit(kernel)(*tuple(_d.values())))

</pallas_src>

<mosaic_0001>
module attributes {stable_mosaic.version = 14 : i64} {
  func.func @_body(%arg0: i32, %arg1: i32, %arg2: memref<16xi32, #tpu.memory_space<smem>>, %arg3: memref<128x1024xf32, #tpu.memory_space<vmem>>, %arg4: memref<1x1x1024xf32, #tpu.memory_space<vmem>>, %arg5: memref<8x1024xf32, #tpu.memory_space<vmem>>) attributes {dimension_semantics = [#tpu.dimension_semantics<arbitrary>, #tpu.dimension_semantics<arbitrary>], iteration_bounds = array<i64: 16, 16>, scalar_prefetch = 1 : i64, scratch_operands = 1 : i64, tpu.core_type = #tpu.core_type<tc>, window_params = [{transform_indices = @transform_0, window_bounds = array<i64: 128, 1024>}, {transform_indices = @transform_1, window_bounds = array<i64: 1, 1, 1024>}]} {
    %get3A = arith.index_cast %arg0 : i32 to index
    %get3A_0 = memref.load %arg2[%get3A] : memref<16xi32, #tpu.memory_space<smem>>
    %add3A = arith.constant 127 : i32
    %add3A_1 = arith.addi %get3A_0, %add3A : i32
    %jit3A = arith.constant 128 : i32
    %div3A = arith.divsi %add3A_1, %jit3A : i32
    %sign3A = arith.constant 0 : i32
    %sign3A_2 = arith.cmpi sgt, %add3A_1, %sign3A : i32
    %sign3A_3 = arith.extui %sign3A_2 : i1 to i32
    %sign3A_4 = arith.constant 0 : i32
    %sign3A_5 = arith.cmpi slt, %add3A_1, %sign3A_4 : i32
    %sign3A_6 = arith.extui %sign3A_5 : i1 to i32
    %sign3A_7 = arith.subi %sign3A_3, %sign3A_6 : i32
    %sign3A_8 = arith.constant 0 : i32
    %sign3A_9 = arith.cmpi sgt, %jit3A, %sign3A_8 : i32
    %sign3A_10 = arith.extui %sign3A_9 : i1 to i32
    %sign3A_11 = arith.constant 0 : i32
    %sign3A_12 = arith.cmpi slt, %jit3A, %sign3A_11 : i32
    %sign3A_13 = arith.extui %sign3A_12 : i1 to i32
    %sign3A_14 = arith.subi %sign3A_10, %sign3A_13 : i32
    %ne3A = arith.cmpi ne, %sign3A_7, %sign3A_14 : i32
    %rem3A = arith.remsi %add3A_1, %jit3A : i32
    %ne3A_15 = arith.constant 0 : i32
    %ne3A_16 = arith.cmpi ne, %rem3A, %ne3A_15 : i32
    %and3A = arith.andi %ne3A, %ne3A_16 : i1
    %sub3A = arith.constant 1 : i32
    %sub3A_17 = arith.subi %div3A, %sub3A : i32
    %select_n3A = arith.select %and3A, %sub3A_17, %div3A : i32
    %mul3A = arith.constant 128 : i32
    %mul3A_18 = arith.muli %arg1, %mul3A : i32
    %sub3A_19 = arith.subi %get3A_0, %mul3A_18 : i32
    %eq3A = arith.constant 0 : i32
    %eq3A_20 = arith.cmpi eq, %arg1, %eq3A : i32
    %convert_element_type3A = arith.extui %eq3A_20 : i1 to i32
    %cond3A = arith.constant 0 : i32
    %cond3A_21 = arith.cmpi ne, %convert_element_type3A, %cond3A : i32
    scf.if %cond3A_21 {
      %broadcast_in_dim3A = arith.constant 0.000000e+00 : f32
      %broadcast_in_dim3A_38 = vector.broadcast %broadcast_in_dim3A : f32 to vector<8x1024xf32>
      %swap3A = arith.constant 0 : index
      %swap3A_39 = arith.constant 0 : index
      %swap3A_40 = vector.load %arg5[%swap3A, %swap3A_39] : memref<8x1024xf32, #tpu.memory_space<vmem>>, vector<8x1024xf32>
      tpu.vector_store %arg5[%swap3A, %swap3A_39], %broadcast_in_dim3A_38 {strides = array<i32>} : memref<8x1024xf32, #tpu.memory_space<vmem>>, vector<8x1024xf32>,
    } else {
    }
    %ge3A = arith.constant 128 : i32
    %ge3A_22 = arith.cmpi sge, %sub3A_19, %ge3A : i32
    %convert_element_type3A_23 = arith.extui %ge3A_22 : i1 to i32
    %cond3A_24 = arith.constant 0 : i32
    %cond3A_25 = arith.cmpi ne, %convert_element_type3A_23, %cond3A_24 : i32
    scf.if %cond3A_25 {
      %get3A_38 = arith.constant 0 : index
      %get3A_39 = arith.constant 0 : index
      %get3A_40 = vector.load %arg3[%get3A_38, %get3A_39] : memref<128x1024xf32, #tpu.memory_space<vmem>>, vector<128x1024xf32>
      %reshape3A = vector.shape_cast %get3A_40 : vector<128x1024xf32> to vector<16x8x1024xf32>
      %get3A_41 = arith.constant 0 : index
      %get3A_42 = arith.constant 0 : index
      %get3A_43 = vector.load %arg5[%get3A_41, %get3A_42] : memref<8x1024xf32, #tpu.memory_space<vmem>>, vector<8x1024xf32>
      %reduce_sum3A = arith.constant dense<0.000000e+00> : vector<8x1024xf32>
      %reduce_sum3A_44 = vector.multi_reduction <add>, %reshape3A, %reduce_sum3A [0] : vector<16x8x1024xf32> to vector<8x1024xf32>
      %add3A_45 = arith.addf %get3A_43, %reduce_sum3A_44 : vector<8x1024xf32>
      %swap3A = arith.constant 0 : index
      %swap3A_46 = arith.constant 0 : index
      %swap3A_47 = vector.load %arg5[%swap3A, %swap3A_46] : memref<8x1024xf32, #tpu.memory_space<vmem>>, vector<8x1024xf32>
      tpu.vector_store %arg5[%swap3A, %swap3A_46], %add3A_45 {strides = array<i32>} : memref<8x1024xf32, #tpu.memory_space<vmem>>, vector<8x1024xf32>,
    } else {
    }
    %lt3A = arith.cmpi slt, %arg1, %select_n3A : i32
    %lt3A_26 = arith.constant 128 : i32
    %lt3A_27 = arith.cmpi slt, %sub3A_19, %lt3A_26 : i32
    %and3A_28 = arith.andi %lt3A, %lt3A_27 : i1
    %convert_element_type3A_29 = arith.extui %and3A_28 : i1 to i32
    %cond3A_30 = arith.constant 0 : i32
    %cond3A_31 = arith.cmpi ne, %convert_element_type3A_29, %cond3A_30 : i32
    scf.if %cond3A_31 {
      %get3A_38 = arith.constant 0 : index
      %get3A_39 = arith.constant 0 : index
      %get3A_40 = vector.load %arg3[%get3A_38, %get3A_39] : memref<128x1024xf32, #tpu.memory_space<vmem>>, vector<128x1024xf32>
      %iota3A = tpu.iota {dimensions = array<i32: 0>} : vector<128x1024xi32>
      %lt3A_41 = vector.broadcast %sub3A_19 : i32 to vector<128x1024xi32>
      %lt3A_42 = arith.cmpi slt, %iota3A, %lt3A_41 : vector<128x1024xi32>
      %jit3A_43 = arith.constant 0.000000e+00 : f32
      %broadcast_in_dim3A = vector.broadcast %jit3A_43 : f32 to vector<128x1024xf32>
      %select_n3A_44 = arith.select %lt3A_42, %get3A_40, %broadcast_in_dim3A : vector<128x1024xi1>, vector<128x1024xf32>
      %reshape3A = vector.shape_cast %select_n3A_44 : vector<128x1024xf32> to vector<16x8x1024xf32>
      %get3A_45 = arith.constant 0 : index
      %get3A_46 = arith.constant 0 : index
      %get3A_47 = vector.load %arg5[%get3A_45, %get3A_46] : memref<8x1024xf32, #tpu.memory_space<vmem>>, vector<8x1024xf32>
      %reduce_sum3A = arith.constant dense<0.000000e+00> : vector<8x1024xf32>
      %reduce_sum3A_48 = vector.multi_reduction <add>, %reshape3A, %reduce_sum3A [0] : vector<16x8x1024xf32> to vector<8x1024xf32>
      %add3A_49 = arith.addf %get3A_47, %reduce_sum3A_48 : vector<8x1024xf32>
      %swap3A = arith.constant 0 : index
      %swap3A_50 = arith.constant 0 : index
      %swap3A_51 = vector.load %arg5[%swap3A, %swap3A_50] : memref<8x1024xf32, #tpu.memory_space<vmem>>, vector<8x1024xf32>
      tpu.vector_store %arg5[%swap3A, %swap3A_50], %add3A_49 {strides = array<i32>} : memref<8x1024xf32, #tpu.memory_space<vmem>>, vector<8x1024xf32>,
    } else {
    }
    %sub3A_32 = arith.constant 1 : i32
    %sub3A_33 = arith.subi %select_n3A, %sub3A_32 : i32
    %eq3A_34 = arith.cmpi eq, %arg1, %sub3A_33 : i32
    %convert_element_type3A_35 = arith.extui %eq3A_34 : i1 to i32
    %cond3A_36 = arith.constant 0 : i32
    %cond3A_37 = arith.cmpi ne, %convert_element_type3A_35, %cond3A_36 : i32
    scf.if %cond3A_37 {
      %get3A_38 = arith.constant 0 : index
      %get3A_39 = arith.constant 0 : index
      %get3A_40 = vector.load %arg5[%get3A_38, %get3A_39] : memref<8x1024xf32, #tpu.memory_space<vmem>>, vector<8x1024xf32>
      %reduce_sum3A = arith.constant dense<0.000000e+00> : vector<1024xf32>
      %reduce_sum3A_41 = vector.multi_reduction <add>, %get3A_40, %reduce_sum3A [0] : vector<8x1024xf32> to vector<1024xf32>
      %convert_element_type3A_42 = arith.sitofp %get3A_0 : i32 to f32
      %div3A_43 = vector.broadcast %convert_element_type3A_42 : f32 to vector<1024xf32>
      %div3A_44 = arith.divf %reduce_sum3A_41, %div3A_43 : vector<1024xf32>
      %broadcast_in_dim3A = vector.shape_cast %div3A_44 : vector<1024xf32> to vector<1x1x1024xf32>
      %swap3A = arith.constant 0 : index
      %swap3A_45 = arith.constant 0 : index
      %swap3A_46 = arith.constant 0 : index
      %swap3A_47 = vector.load %arg4[%swap3A, %swap3A_45, %swap3A_46] : memref<1x1x1024xf32, #tpu.memory_space<vmem>>, vector<1x1x1024xf32>
      tpu.vector_store %arg4[%swap3A, %swap3A_45, %swap3A_46], %broadcast_in_dim3A {strides = array<i32>} : memref<1x1x1024xf32, #tpu.memory_space<vmem>>, vector<1x1x1024xf32>,
    } else {
    }
    return
  }
  func.func @transform_0(%arg0: i32, %arg1: i32, %arg2: memref<16xi32, #tpu.memory_space<smem>>) -> (i32, i32) {
    %get3A = arith.index_cast %arg0 : i32 to index
    %get3A_0 = memref.load %arg2[%get3A] : memref<16xi32, #tpu.memory_space<smem>>
    %add3A = arith.constant 127 : i32
    %add3A_1 = arith.addi %get3A_0, %add3A : i32
    %jit3A = arith.constant 128 : i32
    %div3A = arith.divsi %add3A_1, %jit3A : i32
    %sign3A = arith.constant 0 : i32
    %sign3A_2 = arith.cmpi sgt, %add3A_1, %sign3A : i32
    %sign3A_3 = arith.extui %sign3A_2 : i1 to i32
    %sign3A_4 = arith.constant 0 : i32
    %sign3A_5 = arith.cmpi slt, %add3A_1, %sign3A_4 : i32
    %sign3A_6 = arith.extui %sign3A_5 : i1 to i32
    %sign3A_7 = arith.subi %sign3A_3, %sign3A_6 : i32
    %sign3A_8 = arith.constant 0 : i32
    %sign3A_9 = arith.cmpi sgt, %jit3A, %sign3A_8 : i32
    %sign3A_10 = arith.extui %sign3A_9 : i1 to i32
    %sign3A_11 = arith.constant 0 : i32
    %sign3A_12 = arith.cmpi slt, %jit3A, %sign3A_11 : i32
    %sign3A_13 = arith.extui %sign3A_12 : i1 to i32
    %sign3A_14 = arith.subi %sign3A_10, %sign3A_13 : i32
    %ne3A = arith.cmpi ne, %sign3A_7, %sign3A_14 : i32
    %rem3A = arith.remsi %add3A_1, %jit3A : i32
    %ne3A_15 = arith.constant 0 : i32
    %ne3A_16 = arith.cmpi ne, %rem3A, %ne3A_15 : i32
    %and3A = arith.andi %ne3A, %ne3A_16 : i1
    %sub3A = arith.constant 1 : i32
    %sub3A_17 = arith.subi %div3A, %sub3A : i32
    %select_n3A = arith.select %and3A, %sub3A_17, %div3A : i32
    %sub3A_18 = arith.constant 1 : i32
    %sub3A_19 = arith.subi %select_n3A, %sub3A_18 : i32
    %min3A = arith.minsi %arg1, %sub3A_19 : i32
    %c0_i32 = arith.constant 0 : i32
    return %min3A, %arg0 : i32, i32
  }
  func.func @transform_1(%arg0: i32, %arg1: i32, %arg2: memref<16xi32, #tpu.memory_space<smem>>) -> (i32, i32, i32) {
    %c0_i32 = arith.constant 0 : i32
    %c0_i32_0 = arith.constant 0 : i32
    %c0_i32_1 = arith.constant 0 : i32
    return %arg0, %c0_i32, %c0_i32_0 : i32, i32, i32
  }
}

</mosaic_0001>

<sc_bundles>
// kernel: sparse-core-data-format-call.cloned.1.call-start
scs
called_computation_lowered:
.L_overlay_start_0:
0x0: {  	s2 =	sld [smem:$0x3FD9]  }
0x1: {  	s3 =	sld [smem:$0x3FFE];
	_ =	sdelay $0x1  }
0x2: {  	s1 =	srdreg.scid  }
0x3: {  	s0 =	sand.u32 $0x1, s1  }
0x4: {  	s18 =	sshll.u32 s0, $0xA;
	s2 =	sadd.s32 s3, s2  }
0x5: {  	s2 =	sadd.s32 s2, s18  }
0x6: {  	[smem:$0x3FC6] =	sst s2  }
0x7: {  	_ = 	snop  }
0x8: {  	s2 =	sld [smem:$0x3FC9];
	(tm) =	ssettm $0x1  }
0x9: {  	s19 =	sld [smem:$0x3FFB];
	_ =	sdelay $0x3  }
0xa: {  	_ =	strace s19  }
0xb: {  	s3 =	sld [smem:$0x3FFC];
	_ =	sdelay $0x3  }
0xc: {  	_ =	strace s3  }
0xd: {  	s3 =	sld [smem:$0x3FFD];
	_ =	sdelay $0x3  }
0xe: {  	_ =	strace s3  }
0xf: {  	_ =	strace $0x8FFFFFFF  }
0x10: {  	s20 =	sld [smem:$0x3FDB];
	_ =	sdelay $0x1  }
0x11: {  	s4 =	simm.s32 $_scs_section_size  }
0x12: {  	s5 =	simm.s32 $_size__tile_overlayer_lowered;
	s6 =	simm.s32 $_tile_overlayer_lowered  }
0x13: {  	s23 =	simm.s32 $0x1BFF;
	s22 =	sshll.u32 s6, $0x1;
	s3 =	sadd.s32 s4, s20  }
0x14: {  	s7 =	simm.s32 $0x0;
	s21 =	sshll.u32 s5, $0x1;
	s5 =	sadd.s32 s22, s3  }
0x15: {  	[timem:s7], [sflag:s23] =	dma.local [hbm:s5], s21  }
0x16: {  	_ =	swait.ge [sflag:s23], s21  }
0x17: {  	s4 =	ssub.s32 $0x0, s21;
	[sflag:s23] =	ssyncset.done $0x0  }
0x18: {  	[sflag:s23] =	ssyncadd.s32 s4;
	_ =	sdelay $0x1  }
0x19: {  	s24 =	simm.s32 $0x1B8B  }
0x1a: {  	_ =	swait.ge [sflag:s24], $0x1  }
0x1b: {  	[sflag:s24] =	ssyncset.done $0x0  }
0x1c: {  	s26 =	simm.s32 $0x1B8E;
	s25 =	sld [smem:$0x3FFE];
	[sflag:s24] =	ssyncadd.s32 $0xFFFFFFFF  }
0x1d: {  	s27 =	simm.s32 $execute0_lowered;
	[smem:$0x3FD2] =	sst s26  }
0x1e: {  	s5 =	sshll.u32 s27, $0x1;
	_ =	strace $0x80000046;
	[dreg:$0x1] =	wrdreg $0xFFFFFFFF  }
0x1f: {  	s28 =	simm.s32 $_size_execute0_lowered;
	s3 =	sadd.s32 s3, s5;
	[dreg:$0x0] =	wrdreg $0x0  }
0x20: {  	s5 =	sshll.u32 s28, $0x1;
	[dreg:$0x2] =	wrdreg s3  }
0x21: {  	[dreg:$0x3] =	wrdreg s5  }
0x22: {  	[dreg:$0x4] =	wrdreg $0xC0  }
0x23: {  	_ =	task [dreg:s7], $0x5FFFF  }
0x24: {  	[dreg:$0x1] =	wrdreg $0xFFFFFFFF  }
0x25: {  	[dreg:$0x0] =	wrdreg $0x60  }
0x26: {  	[dreg:$0x2] =	wrdreg s2  }
0x27: {  	[dreg:$0x3] =	wrdreg s25  }
0x28: {  	[dreg:$0x4] =	wrdreg $0x9  }
0x29: {  	_ =	task.clear_ibuf [dreg:s7], $0x5FFFF;
	_ =	strace $0x90000046  }
0x2a: {  	s29 =	simm.s32 $0x9;
	_ =	strace $0x80000048  }
0x2b: {  	_ =	swait.ge [sflag:s29], $0x1  }
0x2c: {  	[sflag:s29] =	ssyncadd.s32 $0xFFFFFFFF  }
0x2d: {  	_ =	strace $0x90000048  }
0x2e: {  	_ =	sfence  }
0x2f: {  	s30 =	sld [smem:$0x0];
	_ =	sdelay $0x2  }
0x30: {  	s31 =	sshll.u32 s1, $0xD;
	s1 =	sshrl.u32 s1, $0x2  }
0x31: {  	s3 =	sand.u32 $0x4000, s31;
	s1 =	sadd.s32 s1, s30  }
0x32: {  	s0 =	sor.u32 s3, s0;
	s1 =	sshll.u32 s1, $0x11  }
0x33: {  	s0 =	sor.u32 s1, s0  }
0x34: {  	s0 =	sadd.s32 $0x8F2B, s0  }
0x35: {  	[sflag:s0] =	ssyncadd.remote.s32 $0x1  }
0x36: {  	_ =	sfence.sel $0xFFFF  }
0x37: {  	[dreg:$0x0] =	wrdreg $0xFFFFFFFF;
	(pc) =	sbr.abs _section_cstart, $3  }
0x38: {  	[dreg:$0x1] =	wrdreg $0xFFFFFFFF  }
0x39: {  	_ =	task.clear_ibuf [dreg:s7], $0x2FFFF;
	_ =	strace $0x9FFFFFFF  }
0x3a: {  	(tm) =	ssettm $0x7FFFFFFF  }
0x3b: {  	_ =	shalt  }
tec
execute0_lowered:
.L_overlay_start_1:
0x0: {  	(tag) =	ssettag $0x1  }
0x1: {  	s2 =	rddreg [dreg:$0x0]  }
0x2: {  	s1 =	rddreg [dreg:$0x1]  }
0x3: {  	s0 =	rddreg [dreg:$0x2]  }
0x4: {  	_ =	strace $0x80000047;
	s4 =	srdreg.scid;
	s6 =	simm.s32 $0x2  }
0x5: {  	s12 =	simm.s32 $0x0;
	p0 =	por $0x0, $0x0;
	s13 =	simm.s32 $0x0  }
0x6: {  	s15 =	simm.s32 $0x0;
	s14 =	simm.s32 $0x0;
	s8 =	simm.s32 $0x0  }
.Ltmp0:
0x7: {  	s9 =	simm.s32 $0x0;
	s10 =	simm.s32 $0x0;
	(pc) =	sbr.rel .LBB1_1-.Ltmp0, $4  }
0x8: {  	s7 =	simm.s32 $0x0;
	s3 =	sadd.s32 $0x600, s1;
	s5 =	sshll.u32 s4, $0x4  }
0x9: {  	s1 =	stileid.u32;
	s4 =	simm.s32 $0x1;
	s5 =	sand.u32 $0x10, s5  }
0xa: {  	s21 =	simm.s32 $0x0;
	[sflag:s4] =	ssyncpa.u1 $0x0;
	s5 =	sor.u32 s1, s5  }
0xb: {  	[sflag:s6] =	ssyncpa.u1 $0x0;
	s6 =	simm.s32 $0x2000;
	s11 =	smov.u32 s5  }
.LBB1_7:
0xc: {  	s16 =	sadd.s32 $0x100, s8  }
0xd: {  	s12 =	sadd.s32 $0x8, s9;
	s17 =	smov.u32 s9;
	p2 =	sgt.s32 s16, $0x3FF  }
0xe: {  	s17 =	smov.u32 @p2 s12  }
0xf: {  	s18 =	smov.u32 s10;
	s12 =	sadd.s32 $0x8, s10;
	p3 =	sgt.s32 s17, $0xF  }
0x10: {  	s18 =	smov.u32 @p3 s12  }
0x11: {  	s19 =	smov.u32 s11;
	s12 =	sadd.s32 $0x20, s11;
	p4 =	sgt.s32 s18, $0x7  }
0x12: {  	p1 =	slt.u32 s7, $0x2;
	s19 =	smov.u32 @p4 s12  }
0x13: {  	s7 =	sadd.s32 $0x1, s7;
	s16 =	simm.s32 @p2 $0x0;
	p2 =	sgt.s32 s19, $0xFF  }
0x14: {  	s20 =	simm.s32 @!p1 $0x2;
	s19 =	smov.u32 @p2 s5;
	p2 =	sne.s32 s7, $0x42  }
.Ltmp1:
0x15: {  	s13 =	smov.u32 s9;
	_ =	swait.ge @!p1 [sflag:s20], $0x4000;
	(pc) =	sbr.rel @!p2 .LBB1_8-.Ltmp1, $4  }
0x16: {  	s15 =	smov.u32 s10;
	s14 =	smov.u32 s11;
	[sflag:s20] =	ssyncset.done @!p1 $0x0  }
0x17: {  	p0 =	por !p0, !p0;
	s17 =	simm.s32 @p3 $0x0;
	[sflag:s20] =	ssyncadd.s32 @!p1 $0xFFFFC000  }
0x18: {  	s9 =	smov.u32 s17;
	s18 =	simm.s32 @p4 $0x0;
	s12 =	smov.u32 s8  }
0x19: {  	s8 =	smov.u32 s16;
	s10 =	smov.u32 s18;
	s11 =	smov.u32 s19  }
.LBB1_1:
0x1a: {  	p1 =	sgt.u32 s7, $0x3F  }
0x1b: {  	s16 =	sxor.u32 @!p1 $0xFFFFFFFF, s7;
	s17 =	sshll.u32 @!p1 s9, $0x7;
	s18 =	sand.u32 @!p1 $0x78, s8  }
0x1c: {  	s20 =	sshll.u32 @!p1 s10, $0xB;
	s16 =	sshll.u32 @!p1 s16, $0xE;
	s19 =	sand.u32 @!p1 $0x380, s17  }
0x1d: {  	s17 =	sand.u32 @!p1 $0x400, s17;
	s18 =	sor.u32 @!p1 s18, s19;
	s19 =	sshll.u32 @!p1 s11, $0xE  }
0x1e: {  	s16 =	sand.u32 @!p1 $0x4000, s16;
	s17 =	sadd.s32 @!p1 s8, s17;
	s19 =	sadd.s32 @!p1 s2, s19  }
0x1f: {  	s18 =	sshrl.u32 @!p1 s18, $0x3;
	s19 =	sadd.s32 @!p1 s20, s19;
	s20 =	sand.u32 @!p1 $0x7, s8  }
0x20: {  	s17 =	sand.u32 @!p1 $0x780, s17;
	s18 =	sadd.s32 @!p1 s18, s19;
	s19 =	sshll.u32 @!p1 s20, $0x12  }
0x21: {  	s17 =	sadd.s32 @!p1 s17, s18;
	s18 =	sor.u32 @!p1 $0x800, s19;
	s19 =	simm.s32 @!p1 $0x4000  }
0x22: {  	[tilespmem:s16], [sflag:$0x1] =	stream.strided.gather @!p1 [hbm4b:s17+s18], $0x4000, s19, s18, $0x38;
	[tilespmem:$0x10000] =	vst v63  }
0x23: {  	p1 =	seq.s32 s7, $0x0  }
0x24: {  	p2 =	seq.s32 @!p1 s7, $0x41  }
0x25: {  	p1 =	por p1, p2  }
.Ltmp2:
0x26: {  	_ = 	snop;
	(pc) =	sbr.rel @p1 .LBB1_7-.Ltmp2, $1  }
0x27: {  	_ =	sdelay $0x3  }
0x28: {  	s16 =	simm.s32 $0x1  }
0x29: {  	_ =	swait.ge [sflag:s4], $0x4000;
	s31 =	sshll.u32 s7, $0xE;
	p1 =	por $0x0, $0x0  }
0x2a: {  	s22 =	simm.s32 $0x0;
	s23 =	simm.s32 $0x0;
	s16 =	simm.s32 @!p0 $0x0  }
0x2b: {  	[sflag:s4] =	ssyncset.done $0x0;
	s19 =	sand.u32 $0x4000, s31;
	s16 =	sshll.u32 s16, $0x10  }
0x2c: {  	[sflag:s4] =	ssyncadd.s32 $0xFFFFC000;
	s20 =	sshrl.u32 s16, $0x2;
	s16 =	sor.u32 $0x8000, s19  }
0x2d: {  	s17 =	sor.u32 $0x40, s20;
	s18 =	sor.u32 $0x8410, s20;
	s20 =	sadd.s32 $0x8400, s20  }
.LBB1_3:
0x2e: {  	v1 =	vld [tilespmem:s17+$0xFFFFFFD0]  }
0x2f: {  	v2 =	vld [tilespmem:s17+$0x430]  }
0x30: {  	s24 =	sshll.u32 s23, $0xB;
	v4 =	vld [tilespmem:s17+$0xFFFFFFE0]  }
0x31: {  	v7 =	vld [tilespmem:s17+$0xFFFFFFF0];
	v0 =	vmov s24  }
0x32: {  	v8 =	vld [tilespmem:s17+$0x0]  }
0x33: {  	s30 =	sand.u32 $0x300, s21;
	v9 =	vld [tilespmem:s17+$0x10]  }
0x34: {  	s25 =	sand.u32 $0x80, s21;
	v10 =	vld [tilespmem:s17+$0x20];
	s24 =	sadd.s32 s30, s19  }
0x35: {  	v11 =	vld [tilespmem:s17+$0x30];
	s24 =	sadd.s32 s25, s24;
	s25 =	simm.s32 $0x1;
	[tilespmem:s18+$0x60] =	vst v2  }
0x36: {  	s31 =	sshll.u32 s22, $0x2;
	s25 =	simm.s32 @!p1 $0x0;
	[tilespmem:s18+$0xFFFFFC00] =	vst v1;
	v3 =	vld.idx.msk [tilespmem:v0+s24+$0x400 ss:$0x1], $0xffff  }
0x37: {  	v6 =	vld [tilespmem:s17+$0x3D0];
	s25 =	sshll.u32 s25, $0x9;
	[tilespmem:s18+$0xFFFFFC10] =	vst v4;
	s24 =	sand.u32 $0xFFFFFC00, s31  }
0x38: {  	v5 =	vld [tilespmem:s17+$0x3E0];
	[tilespmem:s18+$0xFFFFFC20] =	vst v7;
	s24 =	sor.u32 s25, s24  }
0x39: {  	[tilespmem:s18+$0xFFFFFC30] =	vst v8;
	v4 =	vld [tilespmem:s17+$0x400];
	s24 =	sshrl.u32 s24, $0x2  }
0x3a: {  	[tilespmem:s18+$0xFFFFFC40] =	vst v9;
	v1 =	vld [tilespmem:s17+$0x410];
	s24 =	sadd.s32 s24, s20  }
0x3b: {  	[tilespmem:s24+$0x0] =	vst v3;
	v3 =	vld [tilespmem:s17+$0x3F0]  }
0x3c: {  	s28 =	simm.s32 $0x80;
	s27 =	simm.s32 $0x100;
	[tilespmem:s18+$0xFFFFFC50] =	vst v10;
	v2 =	vld [tilespmem:s17+$0x420]  }
0x3d: {  	s26 =	smov.u32 s18;
	s29 =	sand.u32 $0x300, s28;
	v7 =	vld [tilespmem:s17+$0xFFFFFFC0];
	[tilespmem:s18+$0xFFFFFC60] =	vst v11;
	s25 =	sadd.s32 $0x80, s17  }
.LBB1_4:
0x3e: {  	p2 =	sne.s32 s27, $0x380;
	v8 =	vld [tilespmem:s25+$0xFFFFFFD0];
	s28 =	sand.u32 $0x80, s28;
	s29 =	sadd.s32 s29, s19;
	[tilespmem:s26+$0x0] =	vst v6  }
0x3f: {  	s29 =	sadd.s32 s28, s29;
	v6 =	vld [tilespmem:s25+$0x430];
	[tilespmem:s26+$0x10] =	vst v5;
	s28 =	smov.u32 s27  }
0x40: {  	v5 =	vld.idx.msk [tilespmem:v0+s29+$0x400 ss:$0x1], $0xffff;
	[tilespmem:s26+$0x20] =	vst v3  }
0x41: {  	v3 =	vld [tilespmem:s25+$0xFFFFFFE0];
	[tilespmem:s26+$0x30] =	vst v4  }
0x42: {  	v4 =	vld [tilespmem:s25+$0xFFFFFFF0];
	[tilespmem:s26+$0xFFFFFBF0] =	vst v7  }
0x43: {  	v7 =	vld [tilespmem:s25+$0x0];
	[tilespmem:s26+$0x40] =	vst v1  }
0x44: {  	v1 =	vld [tilespmem:s25+$0x10];
	[tilespmem:s26+$0x50] =	vst v2;
	s26 =	sadd.s32 $0x800, s26  }
0x45: {  	s24 =	sadd.s32 $0x800, s24;
	v2 =	vld [tilespmem:s25+$0x20];
	[tilespmem:s26+$0x60] =	vst v6  }
0x46: {  	v9 =	vld [tilespmem:s25+$0x30];
	[tilespmem:s24+$0x0] =	vst v5  }
0x47: {  	[tilespmem:s26+$0xFFFFFC00] =	vst v8;
	v6 =	vld [tilespmem:s25+$0x3D0]  }
0x48: {  	[tilespmem:s26+$0xFFFFFC10] =	vst v3;
	v5 =	vld [tilespmem:s25+$0x3E0]  }
.Ltmp3:
0x49: {  	[tilespmem:s26+$0xFFFFFC20] =	vst v4;
	v3 =	vld [tilespmem:s25+$0x3F0];
	(pc) =	sbr.rel @p2 .LBB1_4-.Ltmp3, $4  }
0x4a: {  	[tilespmem:s26+$0xFFFFFC30] =	vst v7;
	v4 =	vld [tilespmem:s25+$0x400]  }
0x4b: {  	[tilespmem:s26+$0xFFFFFC40] =	vst v1;
	v1 =	vld [tilespmem:s25+$0x410]  }
0x4c: {  	[tilespmem:s26+$0xFFFFFC50] =	vst v2;
	v2 =	vld [tilespmem:s25+$0x420]  }
0x4d: {  	s27 =	sadd.s32 $0x80, s27;
	s29 =	sand.u32 $0x300, s28;
	v7 =	vld [tilespmem:s25+$0xFFFFFFC0];
	[tilespmem:s26+$0xFFFFFC60] =	vst v9;
	s25 =	sadd.s32 $0x80, s25  }
0x4e: {  	[tilespmem:s26+$0x0] =	vst v6  }
0x4f: {  	[tilespmem:s26+$0x10] =	vst v5  }
0x50: {  	v49 =	vld [tilespmem:s25+$0x430];
	[tilespmem:s26+$0x20] =	vst v3  }
0x51: {  	v50 =	vld [tilespmem:s25+$0xFFFFFFD0];
	[tilespmem:s26+$0x30] =	vst v4  }
0x52: {  	v51 =	vld [tilespmem:s25+$0xFFFFFFE0];
	[tilespmem:s26+$0x40] =	vst v1  }
0x53: {  	v52 =	vld [tilespmem:s25+$0xFFFFFFF0];
	[tilespmem:s26+$0x50] =	vst v2  }
0x54: {  	s31 =	sadd.s32 $0x800, s26;
	v53 =	vld [tilespmem:s25+$0x0];
	[tilespmem:s26+$0xFFFFFBF0] =	vst v7  }
0x55: {  	v54 =	vld [tilespmem:s25+$0x10];
	[tilespmem:s31+$0x60] =	vst v49  }
0x56: {  	v55 =	vld [tilespmem:s25+$0x20];
	[tilespmem:s31+$0xFFFFFC00] =	vst v50  }
0x57: {  	v56 =	vld [tilespmem:s25+$0x30];
	[tilespmem:s31+$0xFFFFFC10] =	vst v51  }
0x58: {  	v57 =	vld [tilespmem:s25+$0x3D0];
	[tilespmem:s31+$0xFFFFFC20] =	vst v52  }
0x59: {  	v58 =	vld [tilespmem:s25+$0x3E0];
	[tilespmem:s31+$0xFFFFFC30] =	vst v53  }
0x5a: {  	v59 =	vld [tilespmem:s25+$0x3F0];
	[tilespmem:s31+$0xFFFFFC40] =	vst v54  }
0x5b: {  	v60 =	vld [tilespmem:s25+$0x400];
	[tilespmem:s31+$0xFFFFFC50] =	vst v55  }
0x5c: {  	v61 =	vld [tilespmem:s25+$0xFFFFFFC0];
	[tilespmem:s31+$0xFFFFFC60] =	vst v56  }
0x5d: {  	s27 =	sand.u32 $0x80, s28;
	s30 =	sadd.s32 s29, s19;
	v62 =	vld [tilespmem:s25+$0x410];
	[tilespmem:s31+$0x0] =	vst v57  }
0x5e: {  	v63 =	vld [tilespmem:s25+$0x420];
	s23 =	sadd.s32 $0x1, s23;
	s27 =	sadd.s32 s27, s30;
	[tilespmem:s31+$0x10] =	vst v58  }
0x5f: {  	p2 =	sne.s32 s23, $0x8;
	v0 =	vld.idx.msk [tilespmem:v0+s27+$0x400 ss:$0x1], $0xffff;
	[tilespmem:s31+$0x20] =	vst v59  }
.Ltmp4:
0x60: {  	[tilespmem:s31+$0x30] =	vst v60;
	(pc) =	sbr.rel @p2 .LBB1_3-.Ltmp4, $4  }
0x61: {  	[tilespmem:s31+$0xFFFFFBF0] =	vst v61  }
0x62: {  	[tilespmem:s31+$0x40] =	vst v62  }
0x63: {  	s24 =	sadd.s32 $0x800, s24;
	s17 =	sadd.s32 $0x800, s17;
	[tilespmem:s31+$0x50] =	vst v63  }
0x64: {  	s22 =	sadd.s32 $0x80, s22;
	p1 =	por !p1, !p1;
	s18 =	sadd.s32 $0x80, s18;
	[tilespmem:s24+$0x0] =	vst v0  }
0x65: {  	s15 =	sshll.u32 s15, $0x7;
	s17 =	sand.u32 $0x78, s12  }
0x66: {  	s14 =	sshll.u32 s14, $0xE;
	s13 =	sshll.u32 s13, $0xA;
	s29 =	sand.u32 $0x380, s12  }
.Ltmp5:
0x67: {  	s15 =	sand.u32 $0x380, s15;
	s14 =	sadd.s32 s3, s14;
	(pc) =	sbr.rel .LBB1_7-.Ltmp5, $4  }
0x68: {  	s30 =	sand.u32 $0x7, s12;
	s15 =	sor.u32 s15, s17;
	s13 =	sadd.s32 s13, s14  }
0x69: {  	s12 =	sshll.u32 s30, $0x12;
	s31 =	sshrl.u32 s15, $0x3;
	s13 =	sadd.s32 s29, s13  }
0x6a: {  	s12 =	sor.u32 $0x800, s12;
	s13 =	sadd.s32 s31, s13  }
0x6b: {  	[hbm4b:s13+s12] =	stream.strided.scatter [tilespmem:s16], [sflag:$0x2], $0x4000, s6, s12, $0x38;
	[tilespmem:$0x10000] =	vst v63  }
.LBB1_8:
0x6c: {  	_ =	sfence.sel $0x180000  }
0x6d: {  	s2 =	simm.s32 $0x1;
	[bflag:$0x0] =	sbarrier.arrive $0xFFFF  }
0x6e: {  	s31 =	simm.s32 $0x2;
	[sflag:s2] =	ssyncpa.u1 $0x1  }
0x6f: {  	[sflag:s31] =	ssyncpa.u1 $0x1  }
0x70: {  	p0 =	sne.s32 s1, $0x0;
	_ =	strace $0x90000047  }
0x71: {  	s0 =	sadd.s32 @!p0 $0x100000, s0;
	[bflag:$0x2] =	sbarrier.arrive $0xFFFF  }
0x72: {  	[sflag:s0] =	ssyncadd.tile.s32 @!p0 $0x1;
	_ =	shalt  }
.Lfunc_end1:
_tile_overlayer_lowered:
.L_overlay_start_2:
0x73: {  	(tag) =	ssettag $0x2  }
0x74: {  	s0 =	rddreg [dreg:$0x0];
	s2 =	stileid.u32  }
0x75: {  	s1 =	rddreg [dreg:$0x1];
	p0 =	sne.s32 s2, $0x0  }
0x76: {  	s3 =	rddreg [dreg:$0x2];
	[bflag:$0x3] =	sbarrier.arrive $0xFFFF;
	s2 =	simm.s32 @!p0 $0x1C01  }
0x77: {  	[timem:s3], [sflag:s2] =	dma.local @!p0 [hbm:s0], s1  }
0x78: {  	s0 =	simm.s32 @!p0 $0x1  }
0x79: {  	_ =	swait.ge @!p0 [sflag:s0], s1  }
0x7a: {  	s1 =	ssub.s32 @!p0 $0x0, s1;
	[sflag:s0] =	ssyncset.done @!p0 $0x0  }
0x7b: {  	[sflag:s0] =	ssyncadd.s32 @!p0 s1  }
0x7c: {  	[bflag:$0x3] =	sbarrier.arrive $0xFFFF  }
0x7d: {  	_ =	shalt  }

</sc_bundles>
